<compile_context>
chip_gen: v7x
topology: tpu7x:2x2x1
jax: 0.10.2.dev20260603
libtpu: 0.0.44.dev20260713+nightly
codegen_flags: <defaults>
</compile_context>

<pallas_src>
import functools

import jax
import jax.numpy as jnp
from jax import lax
from jax.experimental import pallas as pl
from jax.experimental.pallas import tpu as pltpu
from jax.experimental.pallas import tpu_sc as plsc

Q = 1024
D = 64
K = 9
M = 100000
CHUNK = 1024
M_PAD = ((M + CHUNK - 1) // CHUNK) * CHUNK
N_STEPS = M_PAD // CHUNK


def _topk_body(feats_ref, bank_ref, vals_ref, idx_ref):
    pid = pl.program_id(0)

    @pl.when(pid == 0)
    def _init():
        vals_ref[...] = jnp.full((Q, K), jnp.inf, dtype=jnp.float32)
        idx_ref[...] = jnp.full((Q, K), -1, dtype=jnp.int32)

    feats = feats_ref[...]
    chunk_t = bank_ref[...]
    a2 = jnp.sum(feats * feats, axis=1, keepdims=True)
    b2 = jnp.sum(chunk_t * chunk_t, axis=0, keepdims=True)
    prod = lax.dot_general(feats, chunk_t,
                           (((1,), (0,)), ((), ())),
                           preferred_element_type=jnp.float32)
    d = a2 + b2 - 2.0 * prod

    base = pid * CHUNK
    lidx = lax.broadcasted_iota(
        jnp.int32, (Q, CHUNK), 1).astype(jnp.float32)

    def cond(carry):
        _, m = carry
        return jnp.any(m < vals_ref[:, K - 1:K])

    def body(carry):
        d, m = carry
        lane = jnp.min(jnp.where(d == m, lidx, jnp.float32(CHUNK)),
                       axis=1, keepdims=True)
        fidx = base + lane.astype(jnp.int32)
        vals = vals_ref[...]
        idxs = idx_ref[...]
        lt = m < vals
        sv = jnp.concatenate(
            [jnp.full((Q, 1), -jnp.inf, jnp.float32), vals[:, :-1]], axis=1)
        si = jnp.concatenate([idxs[:, :1], idxs[:, :-1]], axis=1)
        ins = lt & jnp.logical_not(m < sv)
        vals_ref[...] = jnp.where(ins, m, jnp.where(lt, sv, vals))
        idx_ref[...] = jnp.where(ins, fidx, jnp.where(lt, si, idxs))
        d = jnp.where(lidx == lane, jnp.inf, d)
        return d, jnp.min(d, axis=1, keepdims=True)

    m0 = jnp.min(d, axis=1, keepdims=True)
    lax.while_loop(cond, body, (d, m0))

    @pl.when(pid == N_STEPS - 1)
    def _final():
        vals_ref[...] = jnp.sqrt(jnp.maximum(vals_ref[...], 1e-12))


def _topk_call(features, bank_t):
    return pl.pallas_call(
        _topk_body,
        grid=(N_STEPS,),
        in_specs=[
            pl.BlockSpec((Q, D), lambda i: (0, 0)),
            pl.BlockSpec((D, CHUNK), lambda i: (0, i)),
        ],
        out_specs=[
            pl.BlockSpec((Q, K), lambda i: (0, 0)),
            pl.BlockSpec((Q, K), lambda i: (0, 0)),
        ],
        out_shape=[
            jax.ShapeDtypeStruct((Q, K), jnp.float32),
            jax.ShapeDtypeStruct((Q, K), jnp.int32),
        ],
        compiler_params=pltpu.CompilerParams(
            dimension_semantics=("arbitrary",)),
    )(features, bank_t)


def _sc_gather(idx_flat, table128):
    info = plsc.get_sparse_core_info()
    nc, ns = info.num_cores, info.num_subcores
    nw = nc * ns
    b = idx_flat.shape[0]
    b_per_w = b // nw
    w = table128.shape[1]

    @functools.partial(
        pl.kernel,
        mesh=plsc.VectorSubcoreMesh(core_axis_name="c", subcore_axis_name="s"),
        out_type=jax.ShapeDtypeStruct((b, w), jnp.float32),
        scratch_types=[
            pltpu.VMEM((b_per_w,), jnp.int32),
            pltpu.VMEM((b_per_w, w), jnp.float32),
            pltpu.SemaphoreType.DMA,
        ],
    )
    def gather_kernel(idx_hbm, table_hbm, out_hbm, idx_v, rows_v, sem):
        wid = lax.axis_index("s") * nc + lax.axis_index("c")
        base = wid * b_per_w
        pltpu.sync_copy(idx_hbm.at[pl.ds(base, b_per_w)], idx_v)
        pltpu.async_copy(table_hbm.at[idx_v], rows_v, sem).wait()
        pltpu.sync_copy(rows_v, out_hbm.at[pl.ds(base, b_per_w)])

    return gather_kernel(idx_flat, table128)


def _stats_body(feats_ref, nn_ref, td_ref, iw_ref, dw_ref, infl_ref, prop_ref):
    feats = feats_ref[...]
    acc = jnp.zeros((Q, D), jnp.float32)
    for kk in range(K):
        acc = acc + jnp.abs(feats - nn_ref[kk * Q:(kk + 1) * Q, :D])
    infl = (acc * (1.0 / K)) * iw_ref[...]
    mean = jnp.sum(infl, axis=1, keepdims=True) * (1.0 / D)
    cent = infl - mean
    var = jnp.sum(cent * cent, axis=1, keepdims=True) * (1.0 / (D - 1))
    inorm = cent / (jnp.sqrt(var) + 1e-8)
    ds = jnp.sum(td_ref[...], axis=1, keepdims=True) * (1.0 / K)
    gm = jnp.sum(ds) * (1.0 / Q)
    c = ds - gm
    gvar = D * jnp.sum(c * c) * (1.0 / (Q * D - 1))
    dn = c / (jnp.sqrt(gvar) + 1e-8)
    comb = inorm + dw_ref[0, 0] * dn
    infl_ref[...] = infl
    prop_ref[...] = 0.01 + 0.49 * jax.nn.sigmoid(comb)


def _stats_call(features, nn_flat, topk_d, iw, dw):
    return pl.pallas_call(
        _stats_body,
        out_shape=[
            jax.ShapeDtypeStruct((Q, D), jnp.float32),
            jax.ShapeDtypeStruct((Q, D), jnp.float32),
        ],
    )(features, nn_flat, topk_d, iw.reshape(1, D), dw.reshape(1, 1))


def kernel(features, memory_bank, influence_weight, distance_weight):
    pad = jnp.full((M_PAD - M, D), 1e4, jnp.float32)
    bank_t = jnp.concatenate([memory_bank, pad], axis=0).T
    topk_d, topk_i = _topk_call(features, bank_t)
    idx_flat = topk_i.T.reshape(-1)
    table128 = jnp.pad(memory_bank, ((0, 0), (0, 128 - D)))
    nn_flat = _sc_gather(idx_flat, table128)
    infl, prop = _stats_call(features, nn_flat, topk_d,
                             influence_weight, distance_weight)
    return (infl, topk_d, prop)

# --- scband reference (transcript-rebuilt; emitter-appended) ---
"""Pipeline reference for scband-rd-noising-44289702756646 (READ-ONLY COPY).

The authoritative reference and input builder live on the scoring server;
editing this copy changes nothing except your own understanding.
"""

import jax, jax.numpy as jnp
import numpy as np

FEATURE_DIM = 64
N_NEIGHBORS = 9
NOISE_STD_RANGE = (0.01, 0.5)


def setup_inputs(seed: int = 0) -> dict:
    key = jax.random.key(seed)
    k1, k2 = jax.random.split(key, 2)
    features = jax.random.normal(k1, (1024, FEATURE_DIM), dtype=jnp.float32)
    memory_bank = jax.random.normal(k2, (100000, FEATURE_DIM), dtype=jnp.float32)
    # learned parameters of AdaptiveNoisingModule, initialized as in __init__
    influence_weight = jnp.ones((FEATURE_DIM,), dtype=jnp.float32)
    distance_weight = jnp.ones((1,), dtype=jnp.float32)
    return {
        "features": features,
        "memory_bank": memory_bank,
        "influence_weight": influence_weight,
        "distance_weight": distance_weight,
    }


def _cdist(a, b):
    # Euclidean pairwise distances, matching torch.cdist(p=2)
    a2 = jnp.sum(a * a, axis=1, keepdims=True)
    b2 = jnp.sum(b * b, axis=1)[None, :]
    sq = a2 + b2 - 2.0 * (a @ b.T)
    return jnp.sqrt(jnp.maximum(sq, 1e-12))


def reference(features, memory_bank, influence_weight, distance_weight):
    M = memory_bank.shape[0]
    k = min(N_NEIGHBORS, M)
    # compute_spatial_distance: cdist + smallest-k
    distances = _cdist(features, memory_bank)
    neg_vals, topk_indices = jax.lax.top_k(-distances, k)
    topk_distances = -neg_vals
    # compute_feature_influence: gather k-NN features, per-dim |diff| mean
    nn_features = memory_bank[topk_indices]            # [Q, k, D] gather
    dim_diff = jnp.abs(features[:, None, :] - nn_features)
    influence_scores = dim_diff.mean(axis=1) * influence_weight[None, :]
    # propose_adaptive_noise_std
    influence_norm = influence_scores - influence_scores.mean(axis=-1, keepdims=True)
    influence_norm = influence_norm / (jnp.std(influence_scores, axis=-1, keepdims=True, ddof=1) + 1e-08)
    distance_signal = topk_distances.mean(axis=-1, keepdims=True)
    distance_signal = jnp.broadcast_to(distance_signal, influence_norm.shape)
    distance_norm = (distance_signal - distance_signal.mean()) / (jnp.std(distance_signal, ddof=1) + 1e-08)
    combined_score = influence_norm + distance_weight * distance_norm
    min_std, max_std = NOISE_STD_RANGE
    proposed_noise_std = min_std + (max_std - min_std) * jax.nn.sigmoid(combined_score)
    return (influence_scores, topk_distances, proposed_noise_std)

if __name__ == "__main__":
    import jax
    _d = setup_inputs()
    print(jax.jit(kernel)(*tuple(_d.values())))

</pallas_src>

<mosaic_0001>
#map = affine_map<(d0, d1) -> (0)>
#map1 = affine_map<(d0, d1) -> (0, 0)>
module attributes {stable_mosaic.version = 14 : i64} {
  func.func @gather_kernel(%arg0: i32, %arg1: i32, %arg2: memref<9216xi32, #tpu.memory_space<hbm>>, %arg3: memref<100000x128xf32, #tpu.memory_space<hbm>>, %arg4: memref<9216x128xf32, #tpu.memory_space<hbm>>, %arg5: memref<288xi32, #tpu.memory_space<vmem>>, %arg6: memref<288x128xf32, #tpu.memory_space<vmem>>, %arg7: memref<!tpu.dma_semaphore, #tpu.memory_space<semaphore_mem>>) attributes {dimension_semantics = [#tpu.dimension_semantics<core_parallel>, #tpu.dimension_semantics<subcore_parallel>], iteration_bounds = array<i64: 2, 16>, scalar_prefetch = 0 : i64, scratch_operands = 3 : i64, tpu.core_type = #tpu.core_type<sc_vector_subcore>, window_params = [{transform_indices = #map}, {transform_indices = #map1}, {transform_indices = #map1}]} {
    %mul3A = arith.constant 2 : i32
    %mul3A_0 = arith.muli %arg1, %mul3A : i32
    %add3A = arith.addi %mul3A_0, %arg0 : i32
    %mul3A_1 = arith.constant 288 : i32
    %mul3A_2 = arith.muli %add3A, %mul3A_1 : i32
    "tpu.region"() ({
      %run_scoped3A = tpu.sem_alloc : memref<!tpu.dma_semaphore, #tpu.memory_space<semaphore_mem>>
      %dma_start3A_7 = tpu.memref_slice %arg2[%mul3A_2] : memref<9216xi32, #tpu.memory_space<hbm>> -> memref<288xi32, #tpu.memory_space<hbm>>
      %dma_start3A_8 = tpu.memref_slice %arg2[%mul3A_2] : memref<9216xi32, #tpu.memory_space<hbm>> -> memref<288xi32, #tpu.memory_space<hbm>>
      tpu.enqueue_dma source(%dma_start3A_8 : memref<288xi32, #tpu.memory_space<hbm>>) target(%arg5 : memref<288xi32, #tpu.memory_space<vmem>>) target_semaphore(%run_scoped3A : memref<!tpu.dma_semaphore, #tpu.memory_space<semaphore_mem>>)
      %dma_wait3A_9 = tpu.memref_slice %arg2[%mul3A_2] : memref<9216xi32, #tpu.memory_space<hbm>> -> memref<288xi32, #tpu.memory_space<hbm>>
      %dma_wait3A_10 = tpu.memref_slice %arg2[%mul3A_2] : memref<9216xi32, #tpu.memory_space<hbm>> -> memref<288xi32, #tpu.memory_space<hbm>>
      tpu.wait_dma2 semaphore(%run_scoped3A : memref<!tpu.dma_semaphore, #tpu.memory_space<semaphore_mem>>) src(%dma_wait3A_10 : memref<288xi32, #tpu.memory_space<hbm>>) dst(%arg5 : memref<288xi32, #tpu.memory_space<vmem>>)
      tpu.yield
    }) : () -> ()
    %dma_start3A = arith.constant 0 : i32
    %dma_start3A_3 = arith.constant 0 : i32
    %dma_start3A_4 = tpu.memref_slice %arg3[%dma_start3A, %dma_start3A_3] : memref<100000x128xf32, #tpu.memory_space<hbm>> -> memref<100000x128xf32, #tpu.memory_space<hbm>>
    tpu.enqueue_indirect_dma source(%dma_start3A_4 : memref<100000x128xf32, #tpu.memory_space<hbm>>) target(%arg6 : memref<288x128xf32, #tpu.memory_space<vmem>>) offsets(%arg5 : memref<288xi32, #tpu.memory_space<vmem>>) semaphore(%arg7 : memref<!tpu.dma_semaphore, #tpu.memory_space<semaphore_mem>>)
    %dma_wait3A = arith.constant 0 : i32
    %dma_wait3A_5 = arith.constant 0 : i32
    %dma_wait3A_6 = tpu.memref_slice %arg3[%dma_wait3A, %dma_wait3A_5] : memref<100000x128xf32, #tpu.memory_space<hbm>> -> memref<100000x128xf32, #tpu.memory_space<hbm>>
    tpu.wait_indirect_dma semaphore(%arg7 : memref<!tpu.dma_semaphore, #tpu.memory_space<semaphore_mem>>) src(%dma_wait3A_6 : memref<100000x128xf32, #tpu.memory_space<hbm>>) dst(%arg6 : memref<288x128xf32, #tpu.memory_space<vmem>>)
    "tpu.region"() ({
      %run_scoped3A = tpu.sem_alloc : memref<!tpu.dma_semaphore, #tpu.memory_space<semaphore_mem>>
      %dma_start3A_7 = arith.constant 0 : i32
      %dma_start3A_8 = tpu.memref_slice %arg4[%mul3A_2, %dma_start3A_7] : memref<9216x128xf32, #tpu.memory_space<hbm>> -> memref<288x128xf32, #tpu.memory_space<hbm>>
      %dma_start3A_9 = arith.constant 0 : i32
      %dma_start3A_10 = tpu.memref_slice %arg4[%mul3A_2, %dma_start3A_9] : memref<9216x128xf32, #tpu.memory_space<hbm>> -> memref<288x128xf32, #tpu.memory_space<hbm>>
      tpu.enqueue_dma source(%arg6 : memref<288x128xf32, #tpu.memory_space<vmem>>) target(%dma_start3A_10 : memref<288x128xf32, #tpu.memory_space<hbm>>) target_semaphore(%run_scoped3A : memref<!tpu.dma_semaphore, #tpu.memory_space<semaphore_mem>>)
      %dma_wait3A_11 = arith.constant 0 : i32
      %dma_wait3A_12 = tpu.memref_slice %arg4[%mul3A_2, %dma_wait3A_11] : memref<9216x128xf32, #tpu.memory_space<hbm>> -> memref<288x128xf32, #tpu.memory_space<hbm>>
      %dma_wait3A_13 = arith.constant 0 : i32
      %dma_wait3A_14 = tpu.memref_slice %arg4[%mul3A_2, %dma_wait3A_13] : memref<9216x128xf32, #tpu.memory_space<hbm>> -> memref<288x128xf32, #tpu.memory_space<hbm>>
      tpu.wait_dma2 semaphore(%run_scoped3A : memref<!tpu.dma_semaphore, #tpu.memory_space<semaphore_mem>>) src(%arg6 : memref<288x128xf32, #tpu.memory_space<vmem>>) dst(%dma_wait3A_14 : memref<288x128xf32, #tpu.memory_space<hbm>>)
      tpu.yield
    }) : () -> ()
    return
  }
}

module attributes {stable_mosaic.version = 14 : i64} {
  func.func @_topk_body(%arg0: i32, %arg1: memref<1024x64xf32, #tpu.memory_space<vmem>>, %arg2: memref<64x1024xf32, #tpu.memory_space<vmem>>, %arg3: memref<1024x9xf32, #tpu.memory_space<vmem>>, %arg4: memref<1024x9xi32, #tpu.memory_space<vmem>>) attributes {dimension_semantics = [#tpu.dimension_semantics<arbitrary>], iteration_bounds = array<i64: 98>, scalar_prefetch = 0 : i64, scratch_operands = 0 : i64, tpu.core_type = #tpu.core_type<tc>, window_params = [{pipeline_mode = #tpu.pipeline_mode<synchronous>, transform_indices = @transform_0, window_bounds = array<i64: 1024, 64>}, {transform_indices = @transform_1, window_bounds = array<i64: 64, 1024>}, {pipeline_mode = #tpu.pipeline_mode<synchronous>, transform_indices = @transform_2, window_bounds = array<i64: 1024, 9>}, {pipeline_mode = #tpu.pipeline_mode<synchronous>, transform_indices = @transform_3, window_bounds = array<i64: 1024, 9>}]} {
    %eq3A = arith.constant 0 : i32
    %eq3A_0 = arith.cmpi eq, %arg0, %eq3A : i32
    %convert_element_type3A = arith.extui %eq3A_0 : i1 to i32
    %cond3A = arith.constant 0 : i32
    %cond3A_1 = arith.cmpi ne, %convert_element_type3A, %cond3A : i32
    scf.if %cond3A_1 {
      %broadcast_in_dim3A_28 = arith.constant 0x7F800000 : f32
      %broadcast_in_dim3A_29 = vector.broadcast %broadcast_in_dim3A_28 : f32 to vector<1024x9xf32>
      %swap3A = arith.constant 0 : index
      %swap3A_30 = arith.constant 0 : index
      %swap3A_31 = vector.load %arg3[%swap3A, %swap3A_30] : memref<1024x9xf32, #tpu.memory_space<vmem>>, vector<1024x9xf32>
      tpu.vector_store %arg3[%swap3A, %swap3A_30], %broadcast_in_dim3A_29 {strides = array<i32>} : memref<1024x9xf32, #tpu.memory_space<vmem>>, vector<1024x9xf32>,
      %broadcast_in_dim3A_32 = arith.constant -1 : i32
      %broadcast_in_dim3A_33 = vector.broadcast %broadcast_in_dim3A_32 : i32 to vector<1024x9xi32>
      %swap3A_34 = arith.constant 0 : index
      %swap3A_35 = arith.constant 0 : index
      %swap3A_36 = vector.load %arg4[%swap3A_34, %swap3A_35] : memref<1024x9xi32, #tpu.memory_space<vmem>>, vector<1024x9xi32>
      tpu.vector_store %arg4[%swap3A_34, %swap3A_35], %broadcast_in_dim3A_33 {strides = array<i32>} : memref<1024x9xi32, #tpu.memory_space<vmem>>, vector<1024x9xi32>,
    } else {
    }
    %get3A = arith.constant 0 : index
    %get3A_2 = arith.constant 0 : index
    %get3A_3 = vector.load %arg1[%get3A, %get3A_2] : memref<1024x64xf32, #tpu.memory_space<vmem>>, vector<1024x64xf32>
    %get3A_4 = arith.constant 0 : index
    %get3A_5 = arith.constant 0 : index
    %get3A_6 = vector.load %arg2[%get3A_4, %get3A_5] : memref<64x1024xf32, #tpu.memory_space<vmem>>, vector<64x1024xf32>
    %mul3A = arith.mulf %get3A_3, %get3A_3 : vector<1024x64xf32>
    %reduce_sum3A = arith.constant dense<0.000000e+00> : vector<1024xf32>
    %reduce_sum3A_7 = vector.multi_reduction <add>, %mul3A, %reduce_sum3A [1] : vector<1024x64xf32> to vector<1024xf32>
    %broadcast_in_dim3A = vector.shape_cast %reduce_sum3A_7 : vector<1024xf32> to vector<1024x1xf32>
    %mul3A_8 = arith.mulf %get3A_6, %get3A_6 : vector<64x1024xf32>
    %reduce_sum3A_9 = arith.constant dense<0.000000e+00> : vector<1024xf32>
    %reduce_sum3A_10 = vector.multi_reduction <add>, %mul3A_8, %reduce_sum3A_9 [0] : vector<64x1024xf32> to vector<1024xf32>
    %broadcast_in_dim3A_11 = vector.shape_cast %reduce_sum3A_10 : vector<1024xf32> to vector<1x1024xf32>
    %dot_general3A = arith.constant dense<0.000000e+00> : vector<1024x1024xf32>
    %dot_general3A_12 = tpu.matmul %get3A_3, %get3A_6, %dot_general3A {dimension_numbers = #tpu.dot_dimension_numbers<[1], [0], [0], [1], [0, 0, 1, 1], [], []>, transpose_lhs_hint = false} : vector<1024x64xf32>, vector<64x1024xf32>, vector<1024x1024xf32> -> vector<1024x1024xf32>
    %add3A = vector.broadcast %broadcast_in_dim3A : vector<1024x1xf32> to vector<1024x1024xf32>
    %add3A_13 = vector.broadcast %broadcast_in_dim3A_11 : vector<1x1024xf32> to vector<1024x1024xf32>
    %add3A_14 = arith.addf %add3A, %add3A_13 : vector<1024x1024xf32>
    %mul3A_15 = arith.constant 2.000000e+00 : f32
    %mul3A_16 = vector.broadcast %mul3A_15 : f32 to vector<1024x1024xf32>
    %mul3A_17 = arith.mulf %mul3A_16, %dot_general3A_12 : vector<1024x1024xf32>
    %sub3A = arith.subf %add3A_14, %mul3A_17 : vector<1024x1024xf32>
    %mul3A_18 = arith.constant 1024 : i32
    %mul3A_19 = arith.muli %arg0, %mul3A_18 : i32
    %iota3A = tpu.iota {dimensions = array<i32: 1>} : vector<1024x1024xi32>
    %convert_element_type3A_20 = arith.sitofp %iota3A : vector<1024x1024xi32> to vector<1024x1024xf32>
    %reduce_min3A = arith.constant dense<0x7F800000> : vector<1024xf32>
    %reduce_min3A_21 = vector.multi_reduction <minimumf>, %sub3A, %reduce_min3A [1] : vector<1024x1024xf32> to vector<1024xf32>
    %broadcast_in_dim3A_22 = vector.shape_cast %reduce_min3A_21 : vector<1024xf32> to vector<1024x1xf32>
    %while3A:2 = scf.while (%while3A_28 = %sub3A, %while3A_29 = %broadcast_in_dim3A_22) : (vector<1024x1024xf32>, vector<1024x1xf32>) -> (vector<1024x1024xf32>, vector<1024x1xf32>) {
      %get3A_30 = arith.constant 0 : index
      %get3A_31 = arith.constant 8 : index
      %get3A_32 = vector.load %arg3[%get3A_30, %get3A_31] : memref<1024x9xf32, #tpu.memory_space<vmem>>, vector<1024x1xf32>
      %lt3A = arith.cmpf olt, %while3A_29, %get3A_32 : vector<1024x1xf32>
      %reduce_or3A = arith.constant 1.000000e+00 : f32
      %reduce_or3A_33 = arith.constant 0.000000e+00 : f32
      %reduce_or3A_34 = vector.broadcast %reduce_or3A : f32 to vector<1024x1xf32>
      %reduce_or3A_35 = vector.broadcast %reduce_or3A_33 : f32 to vector<1024x1xf32>
      %reduce_or3A_36 = arith.select %lt3A, %reduce_or3A_34, %reduce_or3A_35 : vector<1024x1xi1>, vector<1024x1xf32>
      %reduce_or3A_37 = vector.shape_cast %reduce_or3A_36 : vector<1024x1xf32> to vector<1x1024x1xf32>
      %reduce_or3A_38 = arith.constant dense<0xFF800000> : vector<1xf32>
      %reduce_or3A_39 = vector.multi_reduction <maximumf>, %reduce_or3A_37, %reduce_or3A_38 [1, 2] : vector<1x1024x1xf32> to vector<1xf32>
      %reduce_or3A_40 = vector.shape_cast %reduce_or3A_39 : vector<1xf32> to vector<1x1x1xf32>
      %reduce_or3A_41 = vector.extract %reduce_or3A_40[0, 0, 0] : f32 from vector<1x1x1xf32>
      %reduce_or3A_42 = arith.constant 0.000000e+00 : f32
      %reduce_or3A_43 = arith.cmpf ogt, %reduce_or3A_41, %reduce_or3A_42 : f32
      scf.condition(%reduce_or3A_43) %while3A_28, %while3A_29 : vector<1024x1024xf32>, vector<1024x1xf32>
    } do {
    ^bb0(%while3A_28: vector<1024x1024xf32>, %while3A_29: vector<1024x1xf32>):
      %eq3A_30 = vector.broadcast %while3A_29 : vector<1024x1xf32> to vector<1024x1024xf32>
      %eq3A_31 = arith.cmpf oeq, %while3A_28, %eq3A_30 : vector<1024x1024xf32>
      %jit3A = arith.constant 1.024000e+03 : f32
      %broadcast_in_dim3A_32 = vector.broadcast %jit3A : f32 to vector<1024x1024xf32>
      %select_n3A = arith.select %eq3A_31, %convert_element_type3A_20, %broadcast_in_dim3A_32 : vector<1024x1024xi1>, vector<1024x1024xf32>
      %reduce_min3A_33 = arith.constant dense<0x7F800000> : vector<1024xf32>
      %reduce_min3A_34 = vector.multi_reduction <minimumf>, %select_n3A, %reduce_min3A_33 [1] : vector<1024x1024xf32> to vector<1024xf32>
      %broadcast_in_dim3A_35 = vector.shape_cast %reduce_min3A_34 : vector<1024xf32> to vector<1024x1xf32>
      %convert_element_type3A_36 = arith.fptosi %broadcast_in_dim3A_35 : vector<1024x1xf32> to vector<1024x1xi32>
      %add3A_37 = vector.broadcast %mul3A_19 : i32 to vector<1024x1xi32>
      %add3A_38 = arith.addi %add3A_37, %convert_element_type3A_36 : vector<1024x1xi32>
      %get3A_39 = arith.constant 0 : index
      %get3A_40 = arith.constant 0 : index
      %get3A_41 = vector.load %arg3[%get3A_39, %get3A_40] : memref<1024x9xf32, #tpu.memory_space<vmem>>, vector<1024x9xf32>
      %get3A_42 = arith.constant 0 : index
      %get3A_43 = arith.constant 0 : index
      %get3A_44 = vector.load %arg4[%get3A_42, %get3A_43] : memref<1024x9xi32, #tpu.memory_space<vmem>>, vector<1024x9xi32>
      %lt3A = vector.broadcast %while3A_29 : vector<1024x1xf32> to vector<1024x9xf32>
      %lt3A_45 = arith.cmpf olt, %lt3A, %get3A_41 : vector<1024x9xf32>
      %broadcast_in_dim3A_46 = arith.constant 0xFF800000 : f32
      %broadcast_in_dim3A_47 = vector.broadcast %broadcast_in_dim3A_46 : f32 to vector<1024x1xf32>
      %slice3A = vector.extract_strided_slice %get3A_41 {offsets = [0, 0], sizes = [1024, 8], strides = [1, 1]} : vector<1024x9xf32> to vector<1024x8xf32>
      %concatenate3A = tpu.concatenate %broadcast_in_dim3A_47, %slice3A in 1 : vector<1024x1xf32>, vector<1024x8xf32> -> vector<1024x9xf32>
      %slice3A_48 = vector.extract_strided_slice %get3A_44 {offsets = [0, 0], sizes = [1024, 1], strides = [1, 1]} : vector<1024x9xi32> to vector<1024x1xi32>
      %slice3A_49 = vector.extract_strided_slice %get3A_44 {offsets = [0, 0], sizes = [1024, 8], strides = [1, 1]} : vector<1024x9xi32> to vector<1024x8xi32>
      %concatenate3A_50 = tpu.concatenate %slice3A_48, %slice3A_49 in 1 : vector<1024x1xi32>, vector<1024x8xi32> -> vector<1024x9xi32>
      %lt3A_51 = vector.broadcast %while3A_29 : vector<1024x1xf32> to vector<1024x9xf32>
      %lt3A_52 = arith.cmpf olt, %lt3A_51, %concatenate3A : vector<1024x9xf32>
      %not3A = arith.constant dense<true> : vector<1024x9xi1>
      %not3A_53 = arith.xori %lt3A_52, %not3A : vector<1024x9xi1>
      %and3A = arith.andi %lt3A_45, %not3A_53 : vector<1024x9xi1>
      %select_n3A_54 = arith.select %lt3A_45, %concatenate3A, %get3A_41 : vector<1024x9xi1>, vector<1024x9xf32>
      %broadcast_in_dim3A_55 = vector.shape_cast %while3A_29 : vector<1024x1xf32> to vector<1024x1xf32>
      %broadcast_in_dim3A_56 = vector.broadcast %broadcast_in_dim3A_55 : vector<1024x1xf32> to vector<1024x9xf32>
      %select_n3A_57 = arith.select %and3A, %broadcast_in_dim3A_56, %select_n3A_54 : vector<1024x9xi1>, vector<1024x9xf32>
      %swap3A = arith.constant 0 : index
      %swap3A_58 = arith.constant 0 : index
      %swap3A_59 = vector.load %arg3[%swap3A, %swap3A_58] : memref<1024x9xf32, #tpu.memory_space<vmem>>, vector<1024x9xf32>
      tpu.vector_store %arg3[%swap3A, %swap3A_58], %select_n3A_57 {strides = array<i32>} : memref<1024x9xf32, #tpu.memory_space<vmem>>, vector<1024x9xf32>,
      %select_n3A_60 = arith.select %lt3A_45, %concatenate3A_50, %get3A_44 : vector<1024x9xi1>, vector<1024x9xi32>
      %broadcast_in_dim3A_61 = vector.shape_cast %add3A_38 : vector<1024x1xi32> to vector<1024x1xi32>
      %broadcast_in_dim3A_62 = vector.broadcast %broadcast_in_dim3A_61 : vector<1024x1xi32> to vector<1024x9xi32>
      %select_n3A_63 = arith.select %and3A, %broadcast_in_dim3A_62, %select_n3A_60 : vector<1024x9xi1>, vector<1024x9xi32>
      %swap3A_64 = arith.constant 0 : index
      %swap3A_65 = arith.constant 0 : index
      %swap3A_66 = vector.load %arg4[%swap3A_64, %swap3A_65] : memref<1024x9xi32, #tpu.memory_space<vmem>>, vector<1024x9xi32>
      tpu.vector_store %arg4[%swap3A_64, %swap3A_65], %select_n3A_63 {strides = array<i32>} : memref<1024x9xi32, #tpu.memory_space<vmem>>, vector<1024x9xi32>,
      %eq3A_67 = vector.broadcast %broadcast_in_dim3A_35 : vector<1024x1xf32> to vector<1024x1024xf32>
      %eq3A_68 = arith.cmpf oeq, %convert_element_type3A_20, %eq3A_67 : vector<1024x1024xf32>
      %jit3A_69 = arith.constant 0x7F800000 : f32
      %broadcast_in_dim3A_70 = vector.broadcast %jit3A_69 : f32 to vector<1024x1024xf32>
      %select_n3A_71 = arith.select %eq3A_68, %broadcast_in_dim3A_70, %while3A_28 : vector<1024x1024xi1>, vector<1024x1024xf32>
      %reduce_min3A_72 = arith.constant dense<0x7F800000> : vector<1024xf32>
      %reduce_min3A_73 = vector.multi_reduction <minimumf>, %select_n3A_71, %reduce_min3A_72 [1] : vector<1024x1024xf32> to vector<1024xf32>
      %broadcast_in_dim3A_74 = vector.shape_cast %reduce_min3A_73 : vector<1024xf32> to vector<1024x1xf32>
      scf.yield %select_n3A_71, %broadcast_in_dim3A_74 : vector<1024x1024xf32>, vector<1024x1xf32>
    }
    %eq3A_23 = arith.constant 97 : i32
    %eq3A_24 = arith.cmpi eq, %arg0, %eq3A_23 : i32
    %convert_element_type3A_25 = arith.extui %eq3A_24 : i1 to i32
    %cond3A_26 = arith.constant 0 : i32
    %cond3A_27 = arith.cmpi ne, %convert_element_type3A_25, %cond3A_26 : i32
    scf.if %cond3A_27 {
      %get3A_28 = arith.constant 0 : index
      %get3A_29 = arith.constant 0 : index
      %get3A_30 = vector.load %arg3[%get3A_28, %get3A_29] : memref<1024x9xf32, #tpu.memory_space<vmem>>, vector<1024x9xf32>
      %max3A = arith.constant 9.99999996E-13 : f32
      %max3A_31 = vector.broadcast %max3A : f32 to vector<1024x9xf32>
      %max3A_32 = arith.maximumf %get3A_30, %max3A_31 : vector<1024x9xf32>
      %sqrt3A = math.sqrt %max3A_32 : vector<1024x9xf32>
      %swap3A = arith.constant 0 : index
      %swap3A_33 = arith.constant 0 : index
      %swap3A_34 = vector.load %arg3[%swap3A, %swap3A_33] : memref<1024x9xf32, #tpu.memory_space<vmem>>, vector<1024x9xf32>
      tpu.vector_store %arg3[%swap3A, %swap3A_33], %sqrt3A {strides = array<i32>} : memref<1024x9xf32, #tpu.memory_space<vmem>>, vector<1024x9xf32>,
    } else {
    }
    return
  }
  func.func @transform_0(%arg0: i32) -> (i32, i32) {
    %c0_i32 = arith.constant 0 : i32
    %c0_i32_0 = arith.constant 0 : i32
    %c0_i32_1 = arith.constant 0 : i32
    return %c0_i32, %c0_i32_0 : i32, i32
  }
  func.func @transform_1(%arg0: i32) -> (i32, i32) {
    %c0_i32 = arith.constant 0 : i32
    %c0_i32_0 = arith.constant 0 : i32
    return %c0_i32, %arg0 : i32, i32
  }
  func.func @transform_2(%arg0: i32) -> (i32, i32) {
    %c0_i32 = arith.constant 0 : i32
    %c0_i32_0 = arith.constant 0 : i32
    %c0_i32_1 = arith.constant 0 : i32
    return %c0_i32, %c0_i32_0 : i32, i32
  }
  func.func @transform_3(%arg0: i32) -> (i32, i32) {
    %c0_i32 = arith.constant 0 : i32
    %c0_i32_0 = arith.constant 0 : i32
    %c0_i32_1 = arith.constant 0 : i32
    return %c0_i32, %c0_i32_0 : i32, i32
  }
}

module attributes {stable_mosaic.version = 14 : i64} {
  func.func @_stats_body(%arg0: memref<1024x64xf32, #tpu.memory_space<vmem>>, %arg1: memref<9216x128xf32, #tpu.memory_space<vmem>>, %arg2: memref<1024x9xf32, #tpu.memory_space<vmem>>, %arg3: memref<1x64xf32, #tpu.memory_space<vmem>>, %arg4: memref<1x1xf32, #tpu.memory_space<vmem>>, %arg5: memref<1024x64xf32, #tpu.memory_space<vmem>>, %arg6: memref<1024x64xf32, #tpu.memory_space<vmem>>) attributes {dimension_semantics = [], scalar_prefetch = 0 : i64, scratch_operands = 0 : i64, tpu.core_type = #tpu.core_type<tc>} {
    %get3A = arith.constant 0 : index
    %get3A_0 = arith.constant 0 : index
    %get3A_1 = vector.load %arg0[%get3A, %get3A_0] : memref<1024x64xf32, #tpu.memory_space<vmem>>, vector<1024x64xf32>
    %broadcast_in_dim3A = arith.constant 0.000000e+00 : f32
    %broadcast_in_dim3A_2 = vector.broadcast %broadcast_in_dim3A : f32 to vector<1024x64xf32>
    %get3A_3 = arith.constant 0 : index
    %get3A_4 = arith.constant 0 : index
    %get3A_5 = vector.load %arg1[%get3A_3, %get3A_4] : memref<9216x128xf32, #tpu.memory_space<vmem>>, vector<1024x64xf32>
    %sub3A = arith.subf %get3A_1, %get3A_5 : vector<1024x64xf32>
    %abs3A = math.absf %sub3A : vector<1024x64xf32>
    %add3A = arith.addf %broadcast_in_dim3A_2, %abs3A : vector<1024x64xf32>
    %get3A_6 = arith.constant 1024 : index
    %get3A_7 = arith.constant 0 : index
    %get3A_8 = vector.load %arg1[%get3A_6, %get3A_7] : memref<9216x128xf32, #tpu.memory_space<vmem>>, vector<1024x64xf32>
    %sub3A_9 = arith.subf %get3A_1, %get3A_8 : vector<1024x64xf32>
    %abs3A_10 = math.absf %sub3A_9 : vector<1024x64xf32>
    %add3A_11 = arith.addf %add3A, %abs3A_10 : vector<1024x64xf32>
    %get3A_12 = arith.constant 2048 : index
    %get3A_13 = arith.constant 0 : index
    %get3A_14 = vector.load %arg1[%get3A_12, %get3A_13] : memref<9216x128xf32, #tpu.memory_space<vmem>>, vector<1024x64xf32>
    %sub3A_15 = arith.subf %get3A_1, %get3A_14 : vector<1024x64xf32>
    %abs3A_16 = math.absf %sub3A_15 : vector<1024x64xf32>
    %add3A_17 = arith.addf %add3A_11, %abs3A_16 : vector<1024x64xf32>
    %get3A_18 = arith.constant 3072 : index
    %get3A_19 = arith.constant 0 : index
    %get3A_20 = vector.load %arg1[%get3A_18, %get3A_19] : memref<9216x128xf32, #tpu.memory_space<vmem>>, vector<1024x64xf32>
    %sub3A_21 = arith.subf %get3A_1, %get3A_20 : vector<1024x64xf32>
    %abs3A_22 = math.absf %sub3A_21 : vector<1024x64xf32>
    %add3A_23 = arith.addf %add3A_17, %abs3A_22 : vector<1024x64xf32>
    %get3A_24 = arith.constant 4096 : index
    %get3A_25 = arith.constant 0 : index
    %get3A_26 = vector.load %arg1[%get3A_24, %get3A_25] : memref<9216x128xf32, #tpu.memory_space<vmem>>, vector<1024x64xf32>
    %sub3A_27 = arith.subf %get3A_1, %get3A_26 : vector<1024x64xf32>
    %abs3A_28 = math.absf %sub3A_27 : vector<1024x64xf32>
    %add3A_29 = arith.addf %add3A_23, %abs3A_28 : vector<1024x64xf32>
    %get3A_30 = arith.constant 5120 : index
    %get3A_31 = arith.constant 0 : index
    %get3A_32 = vector.load %arg1[%get3A_30, %get3A_31] : memref<9216x128xf32, #tpu.memory_space<vmem>>, vector<1024x64xf32>
    %sub3A_33 = arith.subf %get3A_1, %get3A_32 : vector<1024x64xf32>
    %abs3A_34 = math.absf %sub3A_33 : vector<1024x64xf32>
    %add3A_35 = arith.addf %add3A_29, %abs3A_34 : vector<1024x64xf32>
    %get3A_36 = arith.constant 6144 : index
    %get3A_37 = arith.constant 0 : index
    %get3A_38 = vector.load %arg1[%get3A_36, %get3A_37] : memref<9216x128xf32, #tpu.memory_space<vmem>>, vector<1024x64xf32>
    %sub3A_39 = arith.subf %get3A_1, %get3A_38 : vector<1024x64xf32>
    %abs3A_40 = math.absf %sub3A_39 : vector<1024x64xf32>
    %add3A_41 = arith.addf %add3A_35, %abs3A_40 : vector<1024x64xf32>
    %get3A_42 = arith.constant 7168 : index
    %get3A_43 = arith.constant 0 : index
    %get3A_44 = vector.load %arg1[%get3A_42, %get3A_43] : memref<9216x128xf32, #tpu.memory_space<vmem>>, vector<1024x64xf32>
    %sub3A_45 = arith.subf %get3A_1, %get3A_44 : vector<1024x64xf32>
    %abs3A_46 = math.absf %sub3A_45 : vector<1024x64xf32>
    %add3A_47 = arith.addf %add3A_41, %abs3A_46 : vector<1024x64xf32>
    %get3A_48 = arith.constant 8192 : index
    %get3A_49 = arith.constant 0 : index
    %get3A_50 = vector.load %arg1[%get3A_48, %get3A_49] : memref<9216x128xf32, #tpu.memory_space<vmem>>, vector<1024x64xf32>
    %sub3A_51 = arith.subf %get3A_1, %get3A_50 : vector<1024x64xf32>
    %abs3A_52 = math.absf %sub3A_51 : vector<1024x64xf32>
    %add3A_53 = arith.addf %add3A_47, %abs3A_52 : vector<1024x64xf32>
    %mul3A = arith.constant 0.111111112 : f32
    %mul3A_54 = vector.broadcast %mul3A : f32 to vector<1024x64xf32>
    %mul3A_55 = arith.mulf %add3A_53, %mul3A_54 : vector<1024x64xf32>
    %get3A_56 = arith.constant 0 : index
    %get3A_57 = arith.constant 0 : index
    %get3A_58 = vector.load %arg3[%get3A_56, %get3A_57] : memref<1x64xf32, #tpu.memory_space<vmem>>, vector<1x64xf32>
    %mul3A_59 = vector.broadcast %get3A_58 : vector<1x64xf32> to vector<1024x64xf32>
    %mul3A_60 = arith.mulf %mul3A_55, %mul3A_59 : vector<1024x64xf32>
    %reduce_sum3A = arith.constant dense<0.000000e+00> : vector<1024xf32>
    %reduce_sum3A_61 = vector.multi_reduction <add>, %mul3A_60, %reduce_sum3A [1] : vector<1024x64xf32> to vector<1024xf32>
    %broadcast_in_dim3A_62 = vector.shape_cast %reduce_sum3A_61 : vector<1024xf32> to vector<1024x1xf32>
    %mul3A_63 = arith.constant 1.562500e-02 : f32
    %mul3A_64 = vector.broadcast %mul3A_63 : f32 to vector<1024x1xf32>
    %mul3A_65 = arith.mulf %broadcast_in_dim3A_62, %mul3A_64 : vector<1024x1xf32>
    %sub3A_66 = vector.broadcast %mul3A_65 : vector<1024x1xf32> to vector<1024x64xf32>
    %sub3A_67 = arith.subf %mul3A_60, %sub3A_66 : vector<1024x64xf32>
    %mul3A_68 = arith.mulf %sub3A_67, %sub3A_67 : vector<1024x64xf32>
    %reduce_sum3A_69 = arith.constant dense<0.000000e+00> : vector<1024xf32>
    %reduce_sum3A_70 = vector.multi_reduction <add>, %mul3A_68, %reduce_sum3A_69 [1] : vector<1024x64xf32> to vector<1024xf32>
    %broadcast_in_dim3A_71 = vector.shape_cast %reduce_sum3A_70 : vector<1024xf32> to vector<1024x1xf32>
    %mul3A_72 = arith.constant 0.0158730168 : f32
    %mul3A_73 = vector.broadcast %mul3A_72 : f32 to vector<1024x1xf32>
    %mul3A_74 = arith.mulf %broadcast_in_dim3A_71, %mul3A_73 : vector<1024x1xf32>
    %sqrt3A = math.sqrt %mul3A_74 : vector<1024x1xf32>
    %add3A_75 = arith.constant 9.99999993E-9 : f32
    %add3A_76 = vector.broadcast %add3A_75 : f32 to vector<1024x1xf32>
    %add3A_77 = arith.addf %sqrt3A, %add3A_76 : vector<1024x1xf32>
    %div3A = vector.broadcast %add3A_77 : vector<1024x1xf32> to vector<1024x64xf32>
    %div3A_78 = arith.divf %sub3A_67, %div3A : vector<1024x64xf32>
    %get3A_79 = arith.constant 0 : index
    %get3A_80 = arith.constant 0 : index
    %get3A_81 = vector.load %arg2[%get3A_79, %get3A_80] : memref<1024x9xf32, #tpu.memory_space<vmem>>, vector<1024x9xf32>
    %reduce_sum3A_82 = arith.constant dense<0.000000e+00> : vector<1024xf32>
    %reduce_sum3A_83 = vector.multi_reduction <add>, %get3A_81, %reduce_sum3A_82 [1] : vector<1024x9xf32> to vector<1024xf32>
    %broadcast_in_dim3A_84 = vector.shape_cast %reduce_sum3A_83 : vector<1024xf32> to vector<1024x1xf32>
    %mul3A_85 = arith.constant 0.111111112 : f32
    %mul3A_86 = vector.broadcast %mul3A_85 : f32 to vector<1024x1xf32>
    %mul3A_87 = arith.mulf %broadcast_in_dim3A_84, %mul3A_86 : vector<1024x1xf32>
    %reduce_sum3A_88 = vector.shape_cast %mul3A_87 : vector<1024x1xf32> to vector<1x1024x1xf32>
    %reduce_sum3A_89 = arith.constant dense<0.000000e+00> : vector<1xf32>
    %reduce_sum3A_90 = vector.multi_reduction <add>, %reduce_sum3A_88, %reduce_sum3A_89 [1, 2] : vector<1x1024x1xf32> to vector<1xf32>
    %reduce_sum3A_91 = vector.shape_cast %reduce_sum3A_90 : vector<1xf32> to vector<1x1x1xf32>
    %reduce_sum3A_92 = vector.extract %reduce_sum3A_91[0, 0, 0] : f32 from vector<1x1x1xf32>
    %mul3A_93 = arith.constant 9.765625E-4 : f32
    %mul3A_94 = arith.mulf %reduce_sum3A_92, %mul3A_93 : f32
    %sub3A_95 = vector.broadcast %mul3A_94 : f32 to vector<1024x1xf32>
    %sub3A_96 = arith.subf %mul3A_87, %sub3A_95 : vector<1024x1xf32>
    %mul3A_97 = arith.mulf %sub3A_96, %sub3A_96 : vector<1024x1xf32>
    %reduce_sum3A_98 = vector.shape_cast %mul3A_97 : vector<1024x1xf32> to vector<1x1024x1xf32>
    %reduce_sum3A_99 = arith.constant dense<0.000000e+00> : vector<1xf32>
    %reduce_sum3A_100 = vector.multi_reduction <add>, %reduce_sum3A_98, %reduce_sum3A_99 [1, 2] : vector<1x1024x1xf32> to vector<1xf32>
    %reduce_sum3A_101 = vector.shape_cast %reduce_sum3A_100 : vector<1xf32> to vector<1x1x1xf32>
    %reduce_sum3A_102 = vector.extract %reduce_sum3A_101[0, 0, 0] : f32 from vector<1x1x1xf32>
    %mul3A_103 = arith.constant 6.400000e+01 : f32
    %mul3A_104 = arith.mulf %mul3A_103, %reduce_sum3A_102 : f32
    %mul3A_105 = arith.constant 1.52590219E-5 : f32
    %mul3A_106 = arith.mulf %mul3A_104, %mul3A_105 : f32
    %sqrt3A_107 = math.sqrt %mul3A_106 : f32
    %add3A_108 = arith.constant 9.99999993E-9 : f32
    %add3A_109 = arith.addf %sqrt3A_107, %add3A_108 : f32
    %div3A_110 = vector.broadcast %add3A_109 : f32 to vector<1024x1xf32>
    %div3A_111 = arith.divf %sub3A_96, %div3A_110 : vector<1024x1xf32>
    %get3A_112 = arith.constant 0 : index
    %get3A_113 = arith.constant 0 : index
    %get3A_114 = vector.load %arg4[%get3A_112, %get3A_113] : memref<1x1xf32, #tpu.memory_space<vmem>>, vector<1x1xf32>
    %get3A_115 = vector.extract %get3A_114[0, 0] : f32 from vector<1x1xf32>
    %mul3A_116 = vector.broadcast %get3A_115 : f32 to vector<1024x1xf32>
    %mul3A_117 = arith.mulf %mul3A_116, %div3A_111 : vector<1024x1xf32>
    %add3A_118 = vector.broadcast %mul3A_117 : vector<1024x1xf32> to vector<1024x64xf32>
    %add3A_119 = arith.addf %div3A_78, %add3A_118 : vector<1024x64xf32>
    %swap3A = arith.constant 0 : index
    %swap3A_120 = arith.constant 0 : index
    %swap3A_121 = vector.load %arg5[%swap3A, %swap3A_120] : memref<1024x64xf32, #tpu.memory_space<vmem>>, vector<1024x64xf32>
    tpu.vector_store %arg5[%swap3A, %swap3A_120], %mul3A_60 {strides = array<i32>} : memref<1024x64xf32, #tpu.memory_space<vmem>>, vector<1024x64xf32>,
    %logistic3A = arith.negf %add3A_119 : vector<1024x64xf32>
    %logistic3A_122 = math.exp %logistic3A : vector<1024x64xf32>
    %logistic3A_123 = arith.constant 1.000000e+00 : f32
    %logistic3A_124 = vector.broadcast %logistic3A_123 : f32 to vector<1024x64xf32>
    %logistic3A_125 = arith.addf %logistic3A_124, %logistic3A_122 : vector<1024x64xf32>
    %logistic3A_126 = arith.divf %logistic3A_124, %logistic3A_125 : vector<1024x64xf32>
    %mul3A_127 = arith.constant 4.900000e-01 : f32
    %mul3A_128 = vector.broadcast %mul3A_127 : f32 to vector<1024x64xf32>
    %mul3A_129 = arith.mulf %mul3A_128, %logistic3A_126 : vector<1024x64xf32>
    %add3A_130 = arith.constant 0.00999999977 : f32
    %add3A_131 = vector.broadcast %add3A_130 : f32 to vector<1024x64xf32>
    %add3A_132 = arith.addf %add3A_131, %mul3A_129 : vector<1024x64xf32>
    %swap3A_133 = arith.constant 0 : index
    %swap3A_134 = arith.constant 0 : index
    %swap3A_135 = vector.load %arg6[%swap3A_133, %swap3A_134] : memref<1024x64xf32, #tpu.memory_space<vmem>>, vector<1024x64xf32>
    tpu.vector_store %arg6[%swap3A_133, %swap3A_134], %add3A_132 {strides = array<i32>} : memref<1024x64xf32, #tpu.memory_space<vmem>>, vector<1024x64xf32>,
    return
  }
}

</mosaic_0001>

<sc_bundles>
// kernel: kernel.5.cloned.1.call-start
scs
__scs_entry_jumppad:
0x0: {  	(pc) =	sbr.rel $0x88, $3  }
0x1: {  	(tag) =	ssettag $0x0;
	lr =	simm.s32 $0x1  }
0x2: {  	[smem:$0x3F9D] =	sst lr;
	_ =	strace $0xD0000000  }
0x3: {  	_ = 	snop  }
0x4: {  	_ = 	snop  }
0x5: {  	_ = 	snop  }
0x6: {  	_ = 	snop  }
0x7: {  	_ = 	snop  }
__scs_overlays_trampoline_lowered:
0x8: {  	[smem:$0x3FAC] =	sst s0  }
0x9: {  	[smem:$0x3FAD] =	sst s1  }
0xa: {  	[smem:$0x3FAE] =	sst s2  }
0xb: {  	[smem:$0x3FAF] =	sst s3  }
0xc: {  	[smem:$0x3FB0] =	sst s4  }
0xd: {  	[smem:$0x3FB1] =	sst s5  }
0xe: {  	[smem:$0x3FB2] =	sst s6  }
0xf: {  	[smem:$0x3FB3] =	sst s7  }
0x10: {  	[smem:$0x3FB4] =	sst s8  }
0x11: {  	[smem:$0x3FB5] =	sst s9;
	s0 =	simm.s32 @!p0 $0x0  }
0x12: {  	s1 =	sld [smem:$0x3F9B];
	s0 =	simm.s32 @p0 $0x1  }
0x13: {  	[smem:$0x3FB6] =	sst s0;
	s0 =	simm.s32 @!p1 $0x0  }
0x14: {  	s2 =	sld [smem:$0x3F9A];
	s0 =	simm.s32 @p1 $0x1  }
0x15: {  	[smem:$0x3FB7] =	sst s0;
	s0 =	simm.s32 @!p2 $0x0  }
0x16: {  	s3 =	sld [smem:$0x3FDB];
	s0 =	simm.s32 @p2 $0x1  }
0x17: {  	s4 =	simm.s32 $0x1BF5;
	[smem:$0x3FB9] =	sst s0  }
0x18: {  	s0 =	sld [smem:$0x3F9C];
	_ =	swait.ge [sflag:s4], $0x0  }
0x19: {  	s7 =	sld [smem:$0x3F9D]  }
0x1a: {  	s8 =	sadd.s32 $0xFFFFE003, lr  }
0x1b: {  	s9 =	sadd.s32 $0xFFFFFEF7, lr;
	s5 =	simm.s32 $0xFFFFFFFF;
	p2 =	slt.u32 s8, $0xFFFFF086  }
0x1c: {  	p1 =	slt.u32 s9, $0xF7A;
	s5 =	simm.s32 @!p2 $0x0  }
0x1d: {  	s5 =	simm.s32 @p1 $0x1;
	p0 =	seq.s32 s7, s2  }
0x1e: {  	s7 =	smul.u32 @!p0 $0xF7A, s2;
	p2 =	seq.s32 @!p0 s5, $0x0  }
0x1f: {  	s9 =	smul.u32 $0xF7A, s1;
	s8 =	simm.s32 @!p0 $0x1BF5;
	p2 =	por !p2, p0  }
0x20: {  	[sflag:s8] =	ssyncset.s32 @!p0 $0xFFFFF086;
	s6 =	sadd.s32 @!p0 s3, s7;
	s7 =	simm.s32 @!p0 $0x108  }
0x21: {  	s3 =	sadd.s32 s3, s9;
	s6 =	sadd.s32 @!p0 $0x88, s6;
	s7 =	simm.s32 @p2 $0x1082  }
0x22: {  	[simem:s7], [sflag:s8] =	dma.local @!p0 [hbm:s6], $0xF7A  }
0x23: {  	s9 =	sor.u32 $0xD0000000, s2;
	s6 =	simm.s32 $0x108;
	_ =	swait.ge @!p0 [sflag:s8], $0x0  }
0x24: {  	s3 =	sadd.s32 $0x88, s3;
	s6 =	simm.s32 @!p1 $0x1082;
	[sflag:s4] =	ssyncset.s32 $0xFFFFF086  }
0x25: {  	[simem:s6], [sflag:s4] =	dma.local [hbm:s3], $0xF7A  }
0x26: {  	[smem:$0x3F9D] =	sst s1;
	(tag) =	ssettag s2;
	_ =	strace s9  }
0x27: {  	s1 =	sld [smem:$0x3FAD]  }
0x28: {  	s2 =	sld [smem:$0x3FAE]  }
0x29: {  	s4 =	sld [smem:$0x3FB0]  }
0x2a: {  	p0 =	seq.s32 s5, $0x0;
	s5 =	sld [smem:$0x3FB1]  }
0x2b: {  	s6 =	sld [smem:$0x3FB2]  }
0x2c: {  	s7 =	sld [smem:$0x3FB3]  }
0x2d: {  	s3 =	simm.s32 $0x108;
	s8 =	sld [smem:$0x3FB4]  }
0x2e: {  	s3 =	simm.s32 @!p0 $0x1082;
	s9 =	sld [smem:$0x3FB5]  }
0x2f: {  	lr =	sadd.s32 s0, s3;
	s0 =	sld [smem:$0x3FAC]  }
0x30: {  	s3 =	sld [smem:$0x3FAF]  }
0x31: {  	[smem:$0x3FB8] =	sst s10  }
0x32: {  	s10 =	sld [smem:$0x3FB6];
	_ =	sdelay $0x3  }
0x33: {  	p0 =	seq.s32 s10, $0x1;
	s10 =	sld [smem:$0x3FB8];
	_ =	sdelay $0x3  }
0x34: {  	[smem:$0x3FB8] =	sst s10  }
0x35: {  	s10 =	sld [smem:$0x3FB7];
	_ =	sdelay $0x3  }
0x36: {  	p1 =	seq.s32 s10, $0x1;
	s10 =	sld [smem:$0x3FB8];
	_ =	sdelay $0x3  }
0x37: {  	[smem:$0x3FB8] =	sst s10  }
0x38: {  	s10 =	sld [smem:$0x3FB9]  }
0x39: {  	_ = 	snop;
	(pc) =	sbr.ind lr, $3  }
0x3a: {  	_ = 	snop  }
0x3b: {  	_ = 	snop  }
0x3c: {  	p2 =	seq.s32 s10, $0x1;
	s10 =	sld [smem:$0x3FB8]  }
0x3d: {  	_ =	shalt  }
0x3e: {  	_ =	shalt  }
0x3f: {  	_ =	shalt  }
0x40: {  	_ =	shalt  }
0x41: {  	_ =	shalt  }
0x42: {  	_ =	shalt  }
0x43: {  	_ =	shalt  }
0x44: {  	_ =	shalt  }
0x45: {  	_ =	shalt  }
0x46: {  	_ =	shalt  }
0x47: {  	_ =	shalt  }
0x48: {  	_ =	shalt  }
0x49: {  	_ =	shalt  }
0x4a: {  	_ =	shalt  }
0x4b: {  	_ =	shalt  }
0x4c: {  	_ =	shalt  }
0x4d: {  	_ =	shalt  }
0x4e: {  	_ =	shalt  }
0x4f: {  	_ =	shalt  }
0x50: {  	_ =	shalt  }
0x51: {  	_ =	shalt  }
0x52: {  	_ =	shalt  }
0x53: {  	_ =	shalt  }
0x54: {  	_ =	shalt  }
0x55: {  	_ =	shalt  }
0x56: {  	_ =	shalt  }
0x57: {  	_ =	shalt  }
0x58: {  	_ =	shalt  }
0x59: {  	_ =	shalt  }
0x5a: {  	_ =	shalt  }
0x5b: {  	_ =	shalt  }
0x5c: {  	_ =	shalt  }
0x5d: {  	_ =	shalt  }
0x5e: {  	_ =	shalt  }
0x5f: {  	_ =	shalt  }
0x60: {  	_ =	shalt  }
0x61: {  	_ =	shalt  }
0x62: {  	_ =	shalt  }
0x63: {  	_ =	shalt  }
0x64: {  	_ =	shalt  }
0x65: {  	_ =	shalt  }
0x66: {  	_ =	shalt  }
0x67: {  	_ =	shalt  }
0x68: {  	_ =	shalt  }
0x69: {  	_ =	shalt  }
0x6a: {  	_ =	shalt  }
0x6b: {  	_ =	shalt  }
0x6c: {  	_ =	shalt  }
0x6d: {  	_ =	shalt  }
0x6e: {  	_ =	shalt  }
0x6f: {  	_ =	shalt  }
0x70: {  	_ =	shalt  }
0x71: {  	_ =	shalt  }
0x72: {  	_ =	shalt  }
0x73: {  	_ =	shalt  }
0x74: {  	_ =	shalt  }
0x75: {  	_ =	shalt  }
0x76: {  	_ =	shalt  }
0x77: {  	_ =	shalt  }
0x78: {  	_ =	shalt  }
0x79: {  	_ =	shalt  }
0x7a: {  	_ =	shalt  }
0x7b: {  	_ =	shalt  }
0x7c: {  	_ =	shalt  }
0x7d: {  	_ =	shalt  }
0x7e: {  	_ =	shalt  }
0x7f: {  	_ =	shalt  }
0x80: {  	_ =	shalt  }
0x81: {  	_ =	shalt  }
0x82: {  	_ =	shalt  }
0x83: {  	_ =	shalt  }
0x84: {  	_ =	shalt  }
0x85: {  	_ =	shalt  }
0x86: {  	_ =	shalt  }
0x87: {  	_ =	shalt  }
.Lfunc_end0:
.L_simem_size_0:
called_computation_lowered:
.L_overlay_start_0:
0x88: {  	s2 =	sld [smem:$0x3FD9]  }
0x89: {  	s3 =	sld [smem:$0x3FFE];
	_ =	sdelay $0x1  }
0x8a: {  	s1 =	srdreg.scid  }
0x8b: {  	s0 =	sand.u32 $0x1, s1  }
0x8c: {  	s14 =	sshll.u32 s0, $0xA;
	s2 =	sadd.s32 s3, s2  }
0x8d: {  	s2 =	sadd.s32 s2, s14  }
0x8e: {  	[smem:$0x3FC4] =	sst s2  }
0x8f: {  	_ = 	snop  }
0x90: {  	s2 =	sld [smem:$0x3FD0];
	_ =	sdelay $0x2  }
0x91: {  	s15 =	simm.s32 $0xA;
	s4 =	simm.s32 $0x10  }
0x92: {  	[smem:s4], [sflag:s15] =	dma.local [hbm:s2], $0x1  }
0x93: {  	_ =	swait.eq [sflag:s15], $0x1  }
0x94: {  	[sflag:s15] =	ssyncset.done $0x0  }
0x95: {  	[sflag:s15] =	ssyncadd.s32 $0xFFFFFFFF  }
0x96: {  	s16 =	sld [smem:$0x12];
	(tm) =	ssettm $0x1  }
0x97: {  	s17 =	sld [smem:$0x3FFB];
	_ =	sdelay $0x3  }
0x98: {  	_ =	strace s17  }
0x99: {  	s3 =	sld [smem:$0x3FFC];
	_ =	sdelay $0x3  }
0x9a: {  	_ =	strace s3  }
0x9b: {  	s3 =	sld [smem:$0x3FFD];
	_ =	sdelay $0x3  }
0x9c: {  	_ =	strace s3  }
0x9d: {  	_ =	strace $0x8FFFFFFF  }
0x9e: {  	s18 =	sld [smem:$0x3FDB];
	_ =	sdelay $0x1  }
0x9f: {  	s19 =	simm.s32 $_scs_section_size  }
0xa0: {  	s5 =	simm.s32 $_size__tile_overlayer_lowered;
	s6 =	simm.s32 $_tile_overlayer_lowered  }
0xa1: {  	s22 =	simm.s32 $0x1BFF;
	s21 =	sshll.u32 s6, $0x1;
	s3 =	sadd.s32 s19, s18  }
0xa2: {  	s7 =	simm.s32 $0x0;
	s20 =	sshll.u32 s5, $0x1;
	s5 =	sadd.s32 s21, s3  }
0xa3: {  	[timem:s7], [sflag:s22] =	dma.local [hbm:s5], s20  }
0xa4: {  	_ =	swait.ge [sflag:s22], s20  }
0xa5: {  	s4 =	ssub.s32 $0x0, s20;
	[sflag:s22] =	ssyncset.done $0x0  }
0xa6: {  	[sflag:s22] =	ssyncadd.s32 s4;
	_ =	sdelay $0x1  }
0xa7: {  	s23 =	simm.s32 $0x1B8B  }
0xa8: {  	_ =	swait.ge [sflag:s23], $0x1  }
0xa9: {  	[sflag:s23] =	ssyncset.done $0x0  }
0xaa: {  	s25 =	simm.s32 $0x1B8E;
	s24 =	sld [smem:$0x3FFE];
	[sflag:s23] =	ssyncadd.s32 $0xFFFFFFFF  }
0xab: {  	s26 =	simm.s32 $execute0_lowered;
	[smem:$0x3FD2] =	sst s25  }
0xac: {  	s5 =	sshll.u32 s26, $0x1;
	_ =	strace $0x80000046;
	[dreg:$0x1] =	wrdreg $0xFFFFFFFF  }
0xad: {  	s28 =	simm.s32 $_size_execute0_lowered;
	s3 =	sadd.s32 s3, s5;
	[dreg:$0x0] =	wrdreg $0x0  }
0xae: {  	s5 =	sshll.u32 s28, $0x1;
	[dreg:$0x2] =	wrdreg s3  }
0xaf: {  	[dreg:$0x3] =	wrdreg s5  }
0xb0: {  	[dreg:$0x4] =	wrdreg $0xC0  }
0xb1: {  	_ =	task [dreg:s7], $0x5FFFF  }
0xb2: {  	[dreg:$0x1] =	wrdreg $0xFFFFFFFF  }
0xb3: {  	[dreg:$0x0] =	wrdreg $0x60  }
0xb4: {  	[dreg:$0x2] =	wrdreg s16  }
0xb5: {  	[dreg:$0x3] =	wrdreg s24  }
0xb6: {  	[dreg:$0x4] =	wrdreg $0x9  }
0xb7: {  	_ =	task.clear_ibuf [dreg:s7], $0x5FFFF;
	_ =	strace $0x90000046  }
0xb8: {  	s29 =	simm.s32 $0x9;
	_ =	strace $0x80000048  }
0xb9: {  	_ =	swait.ge [sflag:s29], $0x1  }
0xba: {  	[sflag:s29] =	ssyncadd.s32 $0xFFFFFFFF  }
0xbb: {  	_ =	strace $0x90000048  }
0xbc: {  	_ =	sfence  }
0xbd: {  	s30 =	sld [smem:$0x0];
	_ =	sdelay $0x2  }
0xbe: {  	s31 =	sshll.u32 s1, $0xD;
	s1 =	sshrl.u32 s1, $0x2  }
0xbf: {  	s3 =	sand.u32 $0x4000, s31;
	s1 =	sadd.s32 s1, s30  }
0xc0: {  	s0 =	sor.u32 s3, s0;
	s1 =	sshll.u32 s1, $0x11  }
0xc1: {  	s0 =	sor.u32 s1, s0  }
0xc2: {  	s0 =	sadd.s32 $0x8F2B, s0  }
0xc3: {  	[sflag:s0] =	ssyncadd.remote.s32 $0x1  }
0xc4: {  	_ =	sfence.sel $0xFFFF  }
0xc5: {  	[dreg:$0x0] =	wrdreg $0xFFFFFFFF;
	(pc) =	sbr.abs _section_cstart, $3  }
0xc6: {  	[dreg:$0x1] =	wrdreg $0xFFFFFFFF  }
0xc7: {  	_ =	task.clear_ibuf [dreg:s7], $0x2FFFF;
	_ =	strace $0x9FFFFFFF  }
0xc8: {  	(tm) =	ssettm $0x7FFFFFFF  }
0xc9: {  	_ =	shalt  }
tec
execute0_lowered:
.L_overlay_start_1:
0x0: {  	(tag) =	ssettag $0x1  }
0x1: {  	s1 =	srdreg.scid  }
0x2: {  	s0 =	stileid.u32;
	s3 =	rddreg [dreg:$0x0]  }
0x3: {  	s9 =	rddreg [dreg:$0x1];
	s6 =	sand.u32 $0x1, s1;
	s30 =	sshll.u32 s0, $0x1  }
0x4: {  	s2 =	simm.s32 $0x0;
	s1 =	rddreg [dreg:$0x2];
	s7 =	sor.u32 s6, s30  }
0x5: {  	s8 =	simm.s32 $0x1;
	[smem:$0x7FF] =	sst s2;
	s4 =	smul.u32 $0x24, s7  }
0x6: {  	s5 =	sadd.s32 $0x24D400, s9;
	_ =	strace $0x80000047;
	s11 =	ssub.s32 $0x2, s6  }
0x7: {  	s6 =	simm.s32 $0x120;
	s4 =	sadd.s32 s3, s4;
	s3 =	simm.s32 $0x2  }
0x8: {  	[tilespmem:s2], [sflag:$0x2] =	stream.linear.gather [hbm4b:s4+s2], $0x120, $0x38;
	[tilespmem:$0x9180] =	vst v63  }
0x9: {  	s10 =	smul.u32 $0x1200, s7;
	s12 =	sshrl.u32 s11, $0x1;
	_ =	swait.ge [sflag:s3], $0x120  }
0xa: {  	s7 =	simm.s32 $0x180;
	s31 =	ssub.s32 s11, s12;
	[sflag:s3] =	ssyncset.done $0x0  }
0xb: {  	s9 =	sadd.s32 s10, s9;
	s10 =	smax.u32 s31, $0x1;
	[sflag:s3] =	ssyncadd.s32 $0xFFFFFEE0  }
0xc: {  	[tilespmem:s7], [sflag:$0x1] =	stream.indirect.gather [hbm4b:s5+s6], $0x80, s2, s6, $0xb8;
	[tilespmem:$0x9180] =	vst v63  }
0xd: {  	p0 =	sne.s32 s10, $0x1;
	_ =	swait.ge [sflag:s8], $0x9000  }
.Ltmp0:
0xe: {  	[sflag:s8] =	ssyncset.done $0x0;
	(pc) =	sbr.rel @!p0 .LBB2_2-.Ltmp0, $4  }
0xf: {  	s9 =	sadd.s32 $0x2A00, s9;
	[sflag:s8] =	ssyncadd.s32 $0xFFFF7000  }
0x10: {  	[hbm4b:s9+s2] =	stream.linear.scatter [tilespmem:s7], [sflag:$0x2], $0x9000, $0x38;
	[tilespmem:$0x9180] =	vst v63  }
0x11: {  	_ =	swait.ge [sflag:s3], $0x9000  }
0x12: {  	s10 =	sadd.s32 $0xFFFFFFFF, s10;
	[sflag:s3] =	ssyncset.done $0x0  }
.LBB2_1:
0x13: {  	p0 =	sne.s32 s10, $0x1;
	s10 =	sadd.s32 $0xFFFFFFFF, s10;
	[sflag:s3] =	ssyncadd.s32 $0xFFFF7000  }
0x14: {  	[tilespmem:s2], [sflag:$0x2] =	stream.linear.gather [hbm4b:s4+s2], $0x120, $0x38;
	[tilespmem:$0x9180] =	vst v63  }
0x15: {  	_ =	swait.ge [sflag:s3], $0x120  }
0x16: {  	[sflag:s3] =	ssyncset.done $0x0  }
0x17: {  	[sflag:s3] =	ssyncadd.s32 $0xFFFFFEE0  }
0x18: {  	[tilespmem:s7], [sflag:$0x1] =	stream.indirect.gather [hbm4b:s5+s6], $0x80, s2, s6, $0xb8;
	[tilespmem:$0x9180] =	vst v63  }
0x19: {  	_ =	swait.ge [sflag:s8], $0x9000  }
.Ltmp1:
0x1a: {  	[sflag:s8] =	ssyncset.done $0x0;
	(pc) =	sbr.rel @p0 .LBB2_1-.Ltmp1, $4  }
0x1b: {  	[sflag:s8] =	ssyncadd.s32 $0xFFFF7000  }
0x1c: {  	[hbm4b:s9+s2] =	stream.linear.scatter [tilespmem:s7], [sflag:$0x2], $0x9000, $0x38;
	[tilespmem:$0x9180] =	vst v63  }
0x1d: {  	_ =	swait.ge [sflag:s3], $0x9000  }
0x1e: {  	[sflag:s3] =	ssyncset.done $0x0  }
.LBB2_2:
0x1f: {  	[sflag:s3] =	ssyncadd.s32 $0xFFFF7000  }
0x20: {  	_ =	sfence.sel $0x180000  }
0x21: {  	[bflag:$0x0] =	sbarrier.arrive $0xFFFF  }
0x22: {  	p0 =	sne.s32 s0, $0x0;
	_ =	strace $0x90000047  }
0x23: {  	s0 =	sadd.s32 @!p0 $0x100000, s1;
	[bflag:$0x2] =	sbarrier.arrive $0xFFFF  }
0x24: {  	[sflag:s0] =	ssyncadd.tile.s32 @!p0 $0x1;
	_ =	shalt  }
.Lfunc_end2:
_tile_overlayer_lowered:
.L_overlay_start_2:
0x25: {  	(tag) =	ssettag $0x2  }
0x26: {  	s0 =	rddreg [dreg:$0x0];
	s2 =	stileid.u32  }
0x27: {  	s1 =	rddreg [dreg:$0x1];
	p0 =	sne.s32 s2, $0x0  }
0x28: {  	s3 =	rddreg [dreg:$0x2];
	[bflag:$0x3] =	sbarrier.arrive $0xFFFF;
	s2 =	simm.s32 @!p0 $0x1C02  }
0x29: {  	[timem:s3], [sflag:s2] =	dma.local @!p0 [hbm:s0], s1  }
0x2a: {  	s0 =	simm.s32 @!p0 $0x2  }
0x2b: {  	_ =	swait.ge @!p0 [sflag:s0], s1  }
0x2c: {  	s1 =	ssub.s32 @!p0 $0x0, s1;
	[sflag:s0] =	ssyncset.done @!p0 $0x0  }
0x2d: {  	[sflag:s0] =	ssyncadd.s32 @!p0 s1  }
0x2e: {  	[bflag:$0x3] =	sbarrier.arrive $0xFFFF  }
0x2f: {  	_ =	shalt  }

</sc_bundles>
